<compile_context>
chip_gen: v7x
topology: tpu7x:2x2x1
jax: 0.10.2.dev20260603
libtpu: 0.0.44.dev20260713+nightly
codegen_flags: <defaults>
</compile_context>

<pallas_src>
import functools

import jax
import jax.numpy as jnp
from jax import lax
from jax.experimental import pallas as pl
from jax.experimental.pallas import tpu as pltpu
from jax.experimental.pallas import tpu_sc as plsc

_B = 32
_ROW = 160000
_NCH = 10
_CHUNK = _ROW // _NCH
_TOT = 2 * _B * _NCH
_NW = 32
_RPW = _TOT // _NW
_K = 4
_NG = _RPW // _K
_NBUF = 2


def _index_table():
    perm = jnp.argsort(jax.random.uniform(jax.random.key(42), (_B,)))
    idx_noise = (perm[:, None] * _NCH + jnp.arange(_NCH)[None, :]).reshape(-1)
    idx_clean = jnp.arange(_B * _NCH, 2 * _B * _NCH)
    return (
        jnp.concatenate([idx_noise, idx_clean])
        .astype(jnp.int32)
        .reshape(_NW, _NG, _K)
    )


def _make_remix():
    mesh = plsc.VectorSubcoreMesh(core_axis_name="c", subcore_axis_name="s")

    @functools.partial(
        pl.kernel,
        out_type=jax.ShapeDtypeStruct((_TOT, 1, _CHUNK), jnp.float32),
        mesh=mesh,
        scratch_types=(
            [pltpu.VMEM((_NG, _K), jnp.int32)]
            + [pltpu.VMEM((_K, 1, _CHUNK), jnp.float32)] * _NBUF
            + [pltpu.SemaphoreType.DMA] * (2 * _NBUF)
        ),
    )
    def remix(src_hbm, idx_hbm, out_hbm, idx_v, *rest):
        bufs = list(rest[:_NBUF])
        gsem = list(rest[_NBUF:2 * _NBUF])
        ssem = list(rest[2 * _NBUF:])
        wid = lax.axis_index("s") * 2 + lax.axis_index("c")
        base = wid * _RPW
        pltpu.sync_copy(idx_hbm.at[wid], idx_v)
        gh = [None] * _NG
        sh = [None] * _NG
        for g in range(_NG):
            if g >= _NBUF:
                sh[g - _NBUF].wait()
            gh[g] = pltpu.async_copy(
                src_hbm.at[idx_v.at[g]], bufs[g % _NBUF], gsem[g % _NBUF]
            )
            if g >= 1:
                gh[g - 1].wait()
                sh[g - 1] = pltpu.async_copy(
                    bufs[(g - 1) % _NBUF],
                    out_hbm.at[pl.ds(base + (g - 1) * _K, _K)],
                    ssem[(g - 1) % _NBUF],
                )
        gh[_NG - 1].wait()
        sh[_NG - 1] = pltpu.async_copy(
            bufs[(_NG - 1) % _NBUF],
            out_hbm.at[pl.ds(base + (_NG - 1) * _K, _K)],
            ssem[(_NG - 1) % _NBUF],
        )
        for g in range(max(0, _NG - _NBUF), _NG):
            sh[g].wait()

    return remix


_remix = _make_remix()


def kernel(sources):
    src = sources.reshape(_TOT, 1, _CHUNK)
    out = _remix(src, _index_table())
    return out.reshape(2, _B, 1, _ROW)

# --- scband reference (transcript-rebuilt; emitter-appended) ---
"""Pipeline reference for scband-remix-68152541052962 (READ-ONLY COPY).

The authoritative reference and input builder live on the scoring server;
editing this copy changes nothing except your own understanding.
"""

import jax, jax.numpy as jnp
import numpy as np


def setup_inputs(seed: int = 0) -> dict:
    key = jax.random.key(seed)
    sources = jax.random.normal(key, (2, 32, 1, 160000), dtype=jnp.float32)
    return {"sources": sources}


def reference(sources):
    # Remix: permute the noise examples across the batch, keep clean aligned.
    noise = sources[0]
    clean = sources[1]
    bs = noise.shape[0]
    # torch: perm = argsort(rand(bs)); deterministic jax analogue with fixed key
    perm = jnp.argsort(jax.random.uniform(jax.random.key(42), (bs,)))
    remixed_noise = jnp.take(noise, perm, axis=0)
    return jnp.stack([remixed_noise, clean])

if __name__ == "__main__":
    import jax
    _d = setup_inputs()
    print(jax.jit(kernel)(*tuple(_d.values())))

</pallas_src>

<mosaic_0001>
#map = affine_map<(d0, d1) -> (0, 0, 0)>
module attributes {stable_mosaic.version = 14 : i64} {
  func.func @remix(%arg0: i32, %arg1: i32, %arg2: memref<640x1x16000xf32, #tpu.memory_space<hbm>>, %arg3: memref<32x5x4xi32, #tpu.memory_space<hbm>>, %arg4: memref<640x1x16000xf32, #tpu.memory_space<hbm>>, %arg5: memref<5x4xi32, #tpu.memory_space<vmem>>, %arg6: memref<4x1x16000xf32, #tpu.memory_space<vmem>>, %arg7: memref<4x1x16000xf32, #tpu.memory_space<vmem>>, %arg8: memref<!tpu.dma_semaphore, #tpu.memory_space<semaphore_mem>>, %arg9: memref<!tpu.dma_semaphore, #tpu.memory_space<semaphore_mem>>, %arg10: memref<!tpu.dma_semaphore, #tpu.memory_space<semaphore_mem>>, %arg11: memref<!tpu.dma_semaphore, #tpu.memory_space<semaphore_mem>>) attributes {dimension_semantics = [#tpu.dimension_semantics<core_parallel>, #tpu.dimension_semantics<subcore_parallel>], iteration_bounds = array<i64: 2, 16>, scalar_prefetch = 0 : i64, scratch_operands = 7 : i64, tpu.core_type = #tpu.core_type<sc_vector_subcore>, window_params = [{transform_indices = #map}, {transform_indices = #map}, {transform_indices = #map}]} {
    %mul3A = arith.constant 2 : i32
    %mul3A_0 = arith.muli %arg1, %mul3A : i32
    %add3A = arith.addi %mul3A_0, %arg0 : i32
    %mul3A_1 = arith.constant 20 : i32
    %mul3A_2 = arith.muli %add3A, %mul3A_1 : i32
    "tpu.region"() ({
      %run_scoped3A = tpu.sem_alloc : memref<!tpu.dma_semaphore, #tpu.memory_space<semaphore_mem>>
      %dma_start3A_151 = arith.constant 0 : i32
      %dma_start3A_152 = arith.constant 0 : i32
      %dma_start3A_153 = tpu.memref_slice %arg3[%add3A, %dma_start3A_151, %dma_start3A_152] : memref<32x5x4xi32, #tpu.memory_space<hbm>> -> memref<1x5x4xi32, #tpu.memory_space<hbm>>
      %dma_start3A_154 = tpu.memref_squeeze %dma_start3A_153 : memref<1x5x4xi32, #tpu.memory_space<hbm>> -> memref<5x4xi32, #tpu.memory_space<hbm>>
      %dma_start3A_155 = arith.constant 0 : i32
      %dma_start3A_156 = arith.constant 0 : i32
      %dma_start3A_157 = tpu.memref_slice %arg3[%add3A, %dma_start3A_155, %dma_start3A_156] : memref<32x5x4xi32, #tpu.memory_space<hbm>> -> memref<1x5x4xi32, #tpu.memory_space<hbm>>
      %dma_start3A_158 = tpu.memref_squeeze %dma_start3A_157 : memref<1x5x4xi32, #tpu.memory_space<hbm>> -> memref<5x4xi32, #tpu.memory_space<hbm>>
      tpu.enqueue_dma source(%dma_start3A_158 : memref<5x4xi32, #tpu.memory_space<hbm>>) target(%arg5 : memref<5x4xi32, #tpu.memory_space<vmem>>) target_semaphore(%run_scoped3A : memref<!tpu.dma_semaphore, #tpu.memory_space<semaphore_mem>>)
      %dma_wait3A_159 = arith.constant 0 : i32
      %dma_wait3A_160 = arith.constant 0 : i32
      %dma_wait3A_161 = tpu.memref_slice %arg3[%add3A, %dma_wait3A_159, %dma_wait3A_160] : memref<32x5x4xi32, #tpu.memory_space<hbm>> -> memref<1x5x4xi32, #tpu.memory_space<hbm>>
      %dma_wait3A_162 = tpu.memref_squeeze %dma_wait3A_161 : memref<1x5x4xi32, #tpu.memory_space<hbm>> -> memref<5x4xi32, #tpu.memory_space<hbm>>
      %dma_wait3A_163 = arith.constant 0 : i32
      %dma_wait3A_164 = arith.constant 0 : i32
      %dma_wait3A_165 = tpu.memref_slice %arg3[%add3A, %dma_wait3A_163, %dma_wait3A_164] : memref<32x5x4xi32, #tpu.memory_space<hbm>> -> memref<1x5x4xi32, #tpu.memory_space<hbm>>
      %dma_wait3A_166 = tpu.memref_squeeze %dma_wait3A_165 : memref<1x5x4xi32, #tpu.memory_space<hbm>> -> memref<5x4xi32, #tpu.memory_space<hbm>>
      tpu.wait_dma2 semaphore(%run_scoped3A : memref<!tpu.dma_semaphore, #tpu.memory_space<semaphore_mem>>) src(%dma_wait3A_166 : memref<5x4xi32, #tpu.memory_space<hbm>>) dst(%arg5 : memref<5x4xi32, #tpu.memory_space<vmem>>)
      tpu.yield
    }) : () -> ()
    %dma_start3A = arith.constant 0 : i32
    %dma_start3A_3 = arith.constant 0 : i32
    %dma_start3A_4 = tpu.memref_slice %arg5[%dma_start3A, %dma_start3A_3] : memref<5x4xi32, #tpu.memory_space<vmem>> -> memref<1x4xi32, #tpu.memory_space<vmem>>
    %dma_start3A_5 = tpu.memref_squeeze %dma_start3A_4 : memref<1x4xi32, #tpu.memory_space<vmem>> -> memref<4xi32, #tpu.memory_space<vmem>>
    %dma_start3A_6 = arith.constant 0 : i32
    %dma_start3A_7 = arith.constant 0 : i32
    %dma_start3A_8 = arith.constant 0 : i32
    %dma_start3A_9 = tpu.memref_slice %arg2[%dma_start3A_6, %dma_start3A_7, %dma_start3A_8] : memref<640x1x16000xf32, #tpu.memory_space<hbm>> -> memref<640x1x16000xf32, #tpu.memory_space<hbm>>
    tpu.enqueue_indirect_dma source(%dma_start3A_9 : memref<640x1x16000xf32, #tpu.memory_space<hbm>>) target(%arg6 : memref<4x1x16000xf32, #tpu.memory_space<vmem>>) offsets(%dma_start3A_5 : memref<4xi32, #tpu.memory_space<vmem>>) semaphore(%arg8 : memref<!tpu.dma_semaphore, #tpu.memory_space<semaphore_mem>>)
    %dma_start3A_10 = arith.constant 1 : i32
    %dma_start3A_11 = arith.constant 0 : i32
    %dma_start3A_12 = tpu.memref_slice %arg5[%dma_start3A_10, %dma_start3A_11] : memref<5x4xi32, #tpu.memory_space<vmem>> -> memref<1x4xi32, #tpu.memory_space<vmem>>
    %dma_start3A_13 = tpu.memref_squeeze %dma_start3A_12 : memref<1x4xi32, #tpu.memory_space<vmem>> -> memref<4xi32, #tpu.memory_space<vmem>>
    %dma_start3A_14 = arith.constant 0 : i32
    %dma_start3A_15 = arith.constant 0 : i32
    %dma_start3A_16 = arith.constant 0 : i32
    %dma_start3A_17 = tpu.memref_slice %arg2[%dma_start3A_14, %dma_start3A_15, %dma_start3A_16] : memref<640x1x16000xf32, #tpu.memory_space<hbm>> -> memref<640x1x16000xf32, #tpu.memory_space<hbm>>
    tpu.enqueue_indirect_dma source(%dma_start3A_17 : memref<640x1x16000xf32, #tpu.memory_space<hbm>>) target(%arg7 : memref<4x1x16000xf32, #tpu.memory_space<vmem>>) offsets(%dma_start3A_13 : memref<4xi32, #tpu.memory_space<vmem>>) semaphore(%arg9 : memref<!tpu.dma_semaphore, #tpu.memory_space<semaphore_mem>>)
    %dma_wait3A = arith.constant 0 : i32
    %dma_wait3A_18 = arith.constant 0 : i32
    %dma_wait3A_19 = tpu.memref_slice %arg5[%dma_wait3A, %dma_wait3A_18] : memref<5x4xi32, #tpu.memory_space<vmem>> -> memref<1x4xi32, #tpu.memory_space<vmem>>
    %dma_wait3A_20 = tpu.memref_squeeze %dma_wait3A_19 : memref<1x4xi32, #tpu.memory_space<vmem>> -> memref<4xi32, #tpu.memory_space<vmem>>
    %dma_wait3A_21 = arith.constant 0 : i32
    %dma_wait3A_22 = arith.constant 0 : i32
    %dma_wait3A_23 = arith.constant 0 : i32
    %dma_wait3A_24 = tpu.memref_slice %arg2[%dma_wait3A_21, %dma_wait3A_22, %dma_wait3A_23] : memref<640x1x16000xf32, #tpu.memory_space<hbm>> -> memref<640x1x16000xf32, #tpu.memory_space<hbm>>
    tpu.wait_indirect_dma semaphore(%arg8 : memref<!tpu.dma_semaphore, #tpu.memory_space<semaphore_mem>>) src(%dma_wait3A_24 : memref<640x1x16000xf32, #tpu.memory_space<hbm>>) dst(%arg6 : memref<4x1x16000xf32, #tpu.memory_space<vmem>>)
    %add3A_25 = arith.constant 0 : i32
    %add3A_26 = arith.addi %mul3A_2, %add3A_25 : i32
    %dma_start3A_27 = arith.constant 0 : i32
    %dma_start3A_28 = arith.constant 0 : i32
    %dma_start3A_29 = tpu.memref_slice %arg4[%add3A_26, %dma_start3A_27, %dma_start3A_28] : memref<640x1x16000xf32, #tpu.memory_space<hbm>> -> memref<4x1x16000xf32, #tpu.memory_space<hbm>>
    %dma_start3A_30 = arith.constant 0 : i32
    %dma_start3A_31 = arith.constant 0 : i32
    %dma_start3A_32 = tpu.memref_slice %arg4[%add3A_26, %dma_start3A_30, %dma_start3A_31] : memref<640x1x16000xf32, #tpu.memory_space<hbm>> -> memref<4x1x16000xf32, #tpu.memory_space<hbm>>
    tpu.enqueue_dma source(%arg6 : memref<4x1x16000xf32, #tpu.memory_space<vmem>>) target(%dma_start3A_32 : memref<4x1x16000xf32, #tpu.memory_space<hbm>>) target_semaphore(%arg10 : memref<!tpu.dma_semaphore, #tpu.memory_space<semaphore_mem>>)
    %dma_wait3A_33 = arith.constant 0 : i32
    %dma_wait3A_34 = arith.constant 0 : i32
    %dma_wait3A_35 = tpu.memref_slice %arg4[%add3A_26, %dma_wait3A_33, %dma_wait3A_34] : memref<640x1x16000xf32, #tpu.memory_space<hbm>> -> memref<4x1x16000xf32, #tpu.memory_space<hbm>>
    %dma_wait3A_36 = arith.constant 0 : i32
    %dma_wait3A_37 = arith.constant 0 : i32
    %dma_wait3A_38 = tpu.memref_slice %arg4[%add3A_26, %dma_wait3A_36, %dma_wait3A_37] : memref<640x1x16000xf32, #tpu.memory_space<hbm>> -> memref<4x1x16000xf32, #tpu.memory_space<hbm>>
    tpu.wait_dma2 semaphore(%arg10 : memref<!tpu.dma_semaphore, #tpu.memory_space<semaphore_mem>>) src(%arg6 : memref<4x1x16000xf32, #tpu.memory_space<vmem>>) dst(%dma_wait3A_38 : memref<4x1x16000xf32, #tpu.memory_space<hbm>>)
    %dma_start3A_39 = arith.constant 2 : i32
    %dma_start3A_40 = arith.constant 0 : i32
    %dma_start3A_41 = tpu.memref_slice %arg5[%dma_start3A_39, %dma_start3A_40] : memref<5x4xi32, #tpu.memory_space<vmem>> -> memref<1x4xi32, #tpu.memory_space<vmem>>
    %dma_start3A_42 = tpu.memref_squeeze %dma_start3A_41 : memref<1x4xi32, #tpu.memory_space<vmem>> -> memref<4xi32, #tpu.memory_space<vmem>>
    %dma_start3A_43 = arith.constant 0 : i32
    %dma_start3A_44 = arith.constant 0 : i32
    %dma_start3A_45 = arith.constant 0 : i32
    %dma_start3A_46 = tpu.memref_slice %arg2[%dma_start3A_43, %dma_start3A_44, %dma_start3A_45] : memref<640x1x16000xf32, #tpu.memory_space<hbm>> -> memref<640x1x16000xf32, #tpu.memory_space<hbm>>
    tpu.enqueue_indirect_dma source(%dma_start3A_46 : memref<640x1x16000xf32, #tpu.memory_space<hbm>>) target(%arg6 : memref<4x1x16000xf32, #tpu.memory_space<vmem>>) offsets(%dma_start3A_42 : memref<4xi32, #tpu.memory_space<vmem>>) semaphore(%arg8 : memref<!tpu.dma_semaphore, #tpu.memory_space<semaphore_mem>>)
    %dma_wait3A_47 = arith.constant 1 : i32
    %dma_wait3A_48 = arith.constant 0 : i32
    %dma_wait3A_49 = tpu.memref_slice %arg5[%dma_wait3A_47, %dma_wait3A_48] : memref<5x4xi32, #tpu.memory_space<vmem>> -> memref<1x4xi32, #tpu.memory_space<vmem>>
    %dma_wait3A_50 = tpu.memref_squeeze %dma_wait3A_49 : memref<1x4xi32, #tpu.memory_space<vmem>> -> memref<4xi32, #tpu.memory_space<vmem>>
    %dma_wait3A_51 = arith.constant 0 : i32
    %dma_wait3A_52 = arith.constant 0 : i32
    %dma_wait3A_53 = arith.constant 0 : i32
    %dma_wait3A_54 = tpu.memref_slice %arg2[%dma_wait3A_51, %dma_wait3A_52, %dma_wait3A_53] : memref<640x1x16000xf32, #tpu.memory_space<hbm>> -> memref<640x1x16000xf32, #tpu.memory_space<hbm>>
    tpu.wait_indirect_dma semaphore(%arg9 : memref<!tpu.dma_semaphore, #tpu.memory_space<semaphore_mem>>) src(%dma_wait3A_54 : memref<640x1x16000xf32, #tpu.memory_space<hbm>>) dst(%arg7 : memref<4x1x16000xf32, #tpu.memory_space<vmem>>)
    %add3A_55 = arith.constant 4 : i32
    %add3A_56 = arith.addi %mul3A_2, %add3A_55 : i32
    %dma_start3A_57 = arith.constant 0 : i32
    %dma_start3A_58 = arith.constant 0 : i32
    %dma_start3A_59 = tpu.memref_slice %arg4[%add3A_56, %dma_start3A_57, %dma_start3A_58] : memref<640x1x16000xf32, #tpu.memory_space<hbm>> -> memref<4x1x16000xf32, #tpu.memory_space<hbm>>
    %dma_start3A_60 = arith.constant 0 : i32
    %dma_start3A_61 = arith.constant 0 : i32
    %dma_start3A_62 = tpu.memref_slice %arg4[%add3A_56, %dma_start3A_60, %dma_start3A_61] : memref<640x1x16000xf32, #tpu.memory_space<hbm>> -> memref<4x1x16000xf32, #tpu.memory_space<hbm>>
    tpu.enqueue_dma source(%arg7 : memref<4x1x16000xf32, #tpu.memory_space<vmem>>) target(%dma_start3A_62 : memref<4x1x16000xf32, #tpu.memory_space<hbm>>) target_semaphore(%arg11 : memref<!tpu.dma_semaphore, #tpu.memory_space<semaphore_mem>>)
    %dma_wait3A_63 = arith.constant 0 : i32
    %dma_wait3A_64 = arith.constant 0 : i32
    %dma_wait3A_65 = tpu.memref_slice %arg4[%add3A_56, %dma_wait3A_63, %dma_wait3A_64] : memref<640x1x16000xf32, #tpu.memory_space<hbm>> -> memref<4x1x16000xf32, #tpu.memory_space<hbm>>
    %dma_wait3A_66 = arith.constant 0 : i32
    %dma_wait3A_67 = arith.constant 0 : i32
    %dma_wait3A_68 = tpu.memref_slice %arg4[%add3A_56, %dma_wait3A_66, %dma_wait3A_67] : memref<640x1x16000xf32, #tpu.memory_space<hbm>> -> memref<4x1x16000xf32, #tpu.memory_space<hbm>>
    tpu.wait_dma2 semaphore(%arg11 : memref<!tpu.dma_semaphore, #tpu.memory_space<semaphore_mem>>) src(%arg7 : memref<4x1x16000xf32, #tpu.memory_space<vmem>>) dst(%dma_wait3A_68 : memref<4x1x16000xf32, #tpu.memory_space<hbm>>)
    %dma_start3A_69 = arith.constant 3 : i32
    %dma_start3A_70 = arith.constant 0 : i32
    %dma_start3A_71 = tpu.memref_slice %arg5[%dma_start3A_69, %dma_start3A_70] : memref<5x4xi32, #tpu.memory_space<vmem>> -> memref<1x4xi32, #tpu.memory_space<vmem>>
    %dma_start3A_72 = tpu.memref_squeeze %dma_start3A_71 : memref<1x4xi32, #tpu.memory_space<vmem>> -> memref<4xi32, #tpu.memory_space<vmem>>
    %dma_start3A_73 = arith.constant 0 : i32
    %dma_start3A_74 = arith.constant 0 : i32
    %dma_start3A_75 = arith.constant 0 : i32
    %dma_start3A_76 = tpu.memref_slice %arg2[%dma_start3A_73, %dma_start3A_74, %dma_start3A_75] : memref<640x1x16000xf32, #tpu.memory_space<hbm>> -> memref<640x1x16000xf32, #tpu.memory_space<hbm>>
    tpu.enqueue_indirect_dma source(%dma_start3A_76 : memref<640x1x16000xf32, #tpu.memory_space<hbm>>) target(%arg7 : memref<4x1x16000xf32, #tpu.memory_space<vmem>>) offsets(%dma_start3A_72 : memref<4xi32, #tpu.memory_space<vmem>>) semaphore(%arg9 : memref<!tpu.dma_semaphore, #tpu.memory_space<semaphore_mem>>)
    %dma_wait3A_77 = arith.constant 2 : i32
    %dma_wait3A_78 = arith.constant 0 : i32
    %dma_wait3A_79 = tpu.memref_slice %arg5[%dma_wait3A_77, %dma_wait3A_78] : memref<5x4xi32, #tpu.memory_space<vmem>> -> memref<1x4xi32, #tpu.memory_space<vmem>>
    %dma_wait3A_80 = tpu.memref_squeeze %dma_wait3A_79 : memref<1x4xi32, #tpu.memory_space<vmem>> -> memref<4xi32, #tpu.memory_space<vmem>>
    %dma_wait3A_81 = arith.constant 0 : i32
    %dma_wait3A_82 = arith.constant 0 : i32
    %dma_wait3A_83 = arith.constant 0 : i32
    %dma_wait3A_84 = tpu.memref_slice %arg2[%dma_wait3A_81, %dma_wait3A_82, %dma_wait3A_83] : memref<640x1x16000xf32, #tpu.memory_space<hbm>> -> memref<640x1x16000xf32, #tpu.memory_space<hbm>>
    tpu.wait_indirect_dma semaphore(%arg8 : memref<!tpu.dma_semaphore, #tpu.memory_space<semaphore_mem>>) src(%dma_wait3A_84 : memref<640x1x16000xf32, #tpu.memory_space<hbm>>) dst(%arg6 : memref<4x1x16000xf32, #tpu.memory_space<vmem>>)
    %add3A_85 = arith.constant 8 : i32
    %add3A_86 = arith.addi %mul3A_2, %add3A_85 : i32
    %dma_start3A_87 = arith.constant 0 : i32
    %dma_start3A_88 = arith.constant 0 : i32
    %dma_start3A_89 = tpu.memref_slice %arg4[%add3A_86, %dma_start3A_87, %dma_start3A_88] : memref<640x1x16000xf32, #tpu.memory_space<hbm>> -> memref<4x1x16000xf32, #tpu.memory_space<hbm>>
    %dma_start3A_90 = arith.constant 0 : i32
    %dma_start3A_91 = arith.constant 0 : i32
    %dma_start3A_92 = tpu.memref_slice %arg4[%add3A_86, %dma_start3A_90, %dma_start3A_91] : memref<640x1x16000xf32, #tpu.memory_space<hbm>> -> memref<4x1x16000xf32, #tpu.memory_space<hbm>>
    tpu.enqueue_dma source(%arg6 : memref<4x1x16000xf32, #tpu.memory_space<vmem>>) target(%dma_start3A_92 : memref<4x1x16000xf32, #tpu.memory_space<hbm>>) target_semaphore(%arg10 : memref<!tpu.dma_semaphore, #tpu.memory_space<semaphore_mem>>)
    %dma_wait3A_93 = arith.constant 0 : i32
    %dma_wait3A_94 = arith.constant 0 : i32
    %dma_wait3A_95 = tpu.memref_slice %arg4[%add3A_86, %dma_wait3A_93, %dma_wait3A_94] : memref<640x1x16000xf32, #tpu.memory_space<hbm>> -> memref<4x1x16000xf32, #tpu.memory_space<hbm>>
    %dma_wait3A_96 = arith.constant 0 : i32
    %dma_wait3A_97 = arith.constant 0 : i32
    %dma_wait3A_98 = tpu.memref_slice %arg4[%add3A_86, %dma_wait3A_96, %dma_wait3A_97] : memref<640x1x16000xf32, #tpu.memory_space<hbm>> -> memref<4x1x16000xf32, #tpu.memory_space<hbm>>
    tpu.wait_dma2 semaphore(%arg10 : memref<!tpu.dma_semaphore, #tpu.memory_space<semaphore_mem>>) src(%arg6 : memref<4x1x16000xf32, #tpu.memory_space<vmem>>) dst(%dma_wait3A_98 : memref<4x1x16000xf32, #tpu.memory_space<hbm>>)
    %dma_start3A_99 = arith.constant 4 : i32
    %dma_start3A_100 = arith.constant 0 : i32
    %dma_start3A_101 = tpu.memref_slice %arg5[%dma_start3A_99, %dma_start3A_100] : memref<5x4xi32, #tpu.memory_space<vmem>> -> memref<1x4xi32, #tpu.memory_space<vmem>>
    %dma_start3A_102 = tpu.memref_squeeze %dma_start3A_101 : memref<1x4xi32, #tpu.memory_space<vmem>> -> memref<4xi32, #tpu.memory_space<vmem>>
    %dma_start3A_103 = arith.constant 0 : i32
    %dma_start3A_104 = arith.constant 0 : i32
    %dma_start3A_105 = arith.constant 0 : i32
    %dma_start3A_106 = tpu.memref_slice %arg2[%dma_start3A_103, %dma_start3A_104, %dma_start3A_105] : memref<640x1x16000xf32, #tpu.memory_space<hbm>> -> memref<640x1x16000xf32, #tpu.memory_space<hbm>>
    tpu.enqueue_indirect_dma source(%dma_start3A_106 : memref<640x1x16000xf32, #tpu.memory_space<hbm>>) target(%arg6 : memref<4x1x16000xf32, #tpu.memory_space<vmem>>) offsets(%dma_start3A_102 : memref<4xi32, #tpu.memory_space<vmem>>) semaphore(%arg8 : memref<!tpu.dma_semaphore, #tpu.memory_space<semaphore_mem>>)
    %dma_wait3A_107 = arith.constant 3 : i32
    %dma_wait3A_108 = arith.constant 0 : i32
    %dma_wait3A_109 = tpu.memref_slice %arg5[%dma_wait3A_107, %dma_wait3A_108] : memref<5x4xi32, #tpu.memory_space<vmem>> -> memref<1x4xi32, #tpu.memory_space<vmem>>
    %dma_wait3A_110 = tpu.memref_squeeze %dma_wait3A_109 : memref<1x4xi32, #tpu.memory_space<vmem>> -> memref<4xi32, #tpu.memory_space<vmem>>
    %dma_wait3A_111 = arith.constant 0 : i32
    %dma_wait3A_112 = arith.constant 0 : i32
    %dma_wait3A_113 = arith.constant 0 : i32
    %dma_wait3A_114 = tpu.memref_slice %arg2[%dma_wait3A_111, %dma_wait3A_112, %dma_wait3A_113] : memref<640x1x16000xf32, #tpu.memory_space<hbm>> -> memref<640x1x16000xf32, #tpu.memory_space<hbm>>
    tpu.wait_indirect_dma semaphore(%arg9 : memref<!tpu.dma_semaphore, #tpu.memory_space<semaphore_mem>>) src(%dma_wait3A_114 : memref<640x1x16000xf32, #tpu.memory_space<hbm>>) dst(%arg7 : memref<4x1x16000xf32, #tpu.memory_space<vmem>>)
    %add3A_115 = arith.constant 12 : i32
    %add3A_116 = arith.addi %mul3A_2, %add3A_115 : i32
    %dma_start3A_117 = arith.constant 0 : i32
    %dma_start3A_118 = arith.constant 0 : i32
    %dma_start3A_119 = tpu.memref_slice %arg4[%add3A_116, %dma_start3A_117, %dma_start3A_118] : memref<640x1x16000xf32, #tpu.memory_space<hbm>> -> memref<4x1x16000xf32, #tpu.memory_space<hbm>>
    %dma_start3A_120 = arith.constant 0 : i32
    %dma_start3A_121 = arith.constant 0 : i32
    %dma_start3A_122 = tpu.memref_slice %arg4[%add3A_116, %dma_start3A_120, %dma_start3A_121] : memref<640x1x16000xf32, #tpu.memory_space<hbm>> -> memref<4x1x16000xf32, #tpu.memory_space<hbm>>
    tpu.enqueue_dma source(%arg7 : memref<4x1x16000xf32, #tpu.memory_space<vmem>>) target(%dma_start3A_122 : memref<4x1x16000xf32, #tpu.memory_space<hbm>>) target_semaphore(%arg11 : memref<!tpu.dma_semaphore, #tpu.memory_space<semaphore_mem>>)
    %dma_wait3A_123 = arith.constant 4 : i32
    %dma_wait3A_124 = arith.constant 0 : i32
    %dma_wait3A_125 = tpu.memref_slice %arg5[%dma_wait3A_123, %dma_wait3A_124] : memref<5x4xi32, #tpu.memory_space<vmem>> -> memref<1x4xi32, #tpu.memory_space<vmem>>
    %dma_wait3A_126 = tpu.memref_squeeze %dma_wait3A_125 : memref<1x4xi32, #tpu.memory_space<vmem>> -> memref<4xi32, #tpu.memory_space<vmem>>
    %dma_wait3A_127 = arith.constant 0 : i32
    %dma_wait3A_128 = arith.constant 0 : i32
    %dma_wait3A_129 = arith.constant 0 : i32
    %dma_wait3A_130 = tpu.memref_slice %arg2[%dma_wait3A_127, %dma_wait3A_128, %dma_wait3A_129] : memref<640x1x16000xf32, #tpu.memory_space<hbm>> -> memref<640x1x16000xf32, #tpu.memory_space<hbm>>
    tpu.wait_indirect_dma semaphore(%arg8 : memref<!tpu.dma_semaphore, #tpu.memory_space<semaphore_mem>>) src(%dma_wait3A_130 : memref<640x1x16000xf32, #tpu.memory_space<hbm>>) dst(%arg6 : memref<4x1x16000xf32, #tpu.memory_space<vmem>>)
    %add3A_131 = arith.constant 16 : i32
    %add3A_132 = arith.addi %mul3A_2, %add3A_131 : i32
    %dma_start3A_133 = arith.constant 0 : i32
    %dma_start3A_134 = arith.constant 0 : i32
    %dma_start3A_135 = tpu.memref_slice %arg4[%add3A_132, %dma_start3A_133, %dma_start3A_134] : memref<640x1x16000xf32, #tpu.memory_space<hbm>> -> memref<4x1x16000xf32, #tpu.memory_space<hbm>>
    %dma_start3A_136 = arith.constant 0 : i32
    %dma_start3A_137 = arith.constant 0 : i32
    %dma_start3A_138 = tpu.memref_slice %arg4[%add3A_132, %dma_start3A_136, %dma_start3A_137] : memref<640x1x16000xf32, #tpu.memory_space<hbm>> -> memref<4x1x16000xf32, #tpu.memory_space<hbm>>
    tpu.enqueue_dma source(%arg6 : memref<4x1x16000xf32, #tpu.memory_space<vmem>>) target(%dma_start3A_138 : memref<4x1x16000xf32, #tpu.memory_space<hbm>>) target_semaphore(%arg10 : memref<!tpu.dma_semaphore, #tpu.memory_space<semaphore_mem>>)
    %dma_wait3A_139 = arith.constant 0 : i32
    %dma_wait3A_140 = arith.constant 0 : i32
    %dma_wait3A_141 = tpu.memref_slice %arg4[%add3A_116, %dma_wait3A_139, %dma_wait3A_140] : memref<640x1x16000xf32, #tpu.memory_space<hbm>> -> memref<4x1x16000xf32, #tpu.memory_space<hbm>>
    %dma_wait3A_142 = arith.constant 0 : i32
    %dma_wait3A_143 = arith.constant 0 : i32
    %dma_wait3A_144 = tpu.memref_slice %arg4[%add3A_116, %dma_wait3A_142, %dma_wait3A_143] : memref<640x1x16000xf32, #tpu.memory_space<hbm>> -> memref<4x1x16000xf32, #tpu.memory_space<hbm>>
    tpu.wait_dma2 semaphore(%arg11 : memref<!tpu.dma_semaphore, #tpu.memory_space<semaphore_mem>>) src(%arg7 : memref<4x1x16000xf32, #tpu.memory_space<vmem>>) dst(%dma_wait3A_144 : memref<4x1x16000xf32, #tpu.memory_space<hbm>>)
    %dma_wait3A_145 = arith.constant 0 : i32
    %dma_wait3A_146 = arith.constant 0 : i32
    %dma_wait3A_147 = tpu.memref_slice %arg4[%add3A_132, %dma_wait3A_145, %dma_wait3A_146] : memref<640x1x16000xf32, #tpu.memory_space<hbm>> -> memref<4x1x16000xf32, #tpu.memory_space<hbm>>
    %dma_wait3A_148 = arith.constant 0 : i32
    %dma_wait3A_149 = arith.constant 0 : i32
    %dma_wait3A_150 = tpu.memref_slice %arg4[%add3A_132, %dma_wait3A_148, %dma_wait3A_149] : memref<640x1x16000xf32, #tpu.memory_space<hbm>> -> memref<4x1x16000xf32, #tpu.memory_space<hbm>>
    tpu.wait_dma2 semaphore(%arg10 : memref<!tpu.dma_semaphore, #tpu.memory_space<semaphore_mem>>) src(%arg6 : memref<4x1x16000xf32, #tpu.memory_space<vmem>>) dst(%dma_wait3A_150 : memref<4x1x16000xf32, #tpu.memory_space<hbm>>)
    return
  }
}

</mosaic_0001>

<sc_bundles>
// kernel: kernel.3.cloned.1.call-start
scs
__scs_entry_jumppad:
0x0: {  	(pc) =	sbr.rel $0x88, $3  }
0x1: {  	(tag) =	ssettag $0x0;
	lr =	simm.s32 $0x1  }
0x2: {  	[smem:$0x3FA0] =	sst lr;
	_ =	strace $0xD0000000  }
0x3: {  	_ = 	snop  }
0x4: {  	_ = 	snop  }
0x5: {  	_ = 	snop  }
0x6: {  	_ = 	snop  }
0x7: {  	_ = 	snop  }
__scs_overlays_trampoline_lowered:
0x8: {  	[smem:$0x3FAF] =	sst s0  }
0x9: {  	[smem:$0x3FB0] =	sst s1  }
0xa: {  	[smem:$0x3FB1] =	sst s2  }
0xb: {  	[smem:$0x3FB2] =	sst s3  }
0xc: {  	[smem:$0x3FB3] =	sst s4  }
0xd: {  	[smem:$0x3FB4] =	sst s5  }
0xe: {  	[smem:$0x3FB5] =	sst s6  }
0xf: {  	[smem:$0x3FB6] =	sst s7  }
0x10: {  	[smem:$0x3FB7] =	sst s8  }
0x11: {  	[smem:$0x3FB8] =	sst s9;
	s0 =	simm.s32 @!p0 $0x0  }
0x12: {  	s1 =	sld [smem:$0x3F9E];
	s0 =	simm.s32 @p0 $0x1  }
0x13: {  	[smem:$0x3FB9] =	sst s0;
	s0 =	simm.s32 @!p1 $0x0  }
0x14: {  	s2 =	sld [smem:$0x3F9D];
	s0 =	simm.s32 @p1 $0x1  }
0x15: {  	[smem:$0x3FBA] =	sst s0;
	s0 =	simm.s32 @!p2 $0x0  }
0x16: {  	s3 =	sld [smem:$0x3FDB];
	s0 =	simm.s32 @p2 $0x1  }
0x17: {  	s4 =	simm.s32 $0x1BF5;
	[smem:$0x3FBC] =	sst s0  }
0x18: {  	s0 =	sld [smem:$0x3F9F];
	_ =	swait.ge [sflag:s4], $0x0  }
0x19: {  	s7 =	sld [smem:$0x3FA0]  }
0x1a: {  	s8 =	sadd.s32 $0xFFFFE003, lr  }
0x1b: {  	s9 =	sadd.s32 $0xFFFFFEF7, lr;
	s5 =	simm.s32 $0xFFFFFFFF;
	p2 =	slt.u32 s8, $0xFFFFF086  }
0x1c: {  	p1 =	slt.u32 s9, $0xF7A;
	s5 =	simm.s32 @!p2 $0x0  }
0x1d: {  	s5 =	simm.s32 @p1 $0x1;
	p0 =	seq.s32 s7, s2  }
0x1e: {  	s7 =	smul.u32 @!p0 $0xF7A, s2;
	p2 =	seq.s32 @!p0 s5, $0x0  }
0x1f: {  	s9 =	smul.u32 $0xF7A, s1;
	s8 =	simm.s32 @!p0 $0x1BF5;
	p2 =	por !p2, p0  }
0x20: {  	[sflag:s8] =	ssyncset.s32 @!p0 $0xFFFFF086;
	s6 =	sadd.s32 @!p0 s3, s7;
	s7 =	simm.s32 @!p0 $0x108  }
0x21: {  	s3 =	sadd.s32 s3, s9;
	s6 =	sadd.s32 @!p0 $0x88, s6;
	s7 =	simm.s32 @p2 $0x1082  }
0x22: {  	[simem:s7], [sflag:s8] =	dma.local @!p0 [hbm:s6], $0xF7A  }
0x23: {  	s9 =	sor.u32 $0xD0000000, s2;
	s6 =	simm.s32 $0x108;
	_ =	swait.ge @!p0 [sflag:s8], $0x0  }
0x24: {  	s3 =	sadd.s32 $0x88, s3;
	s6 =	simm.s32 @!p1 $0x1082;
	[sflag:s4] =	ssyncset.s32 $0xFFFFF086  }
0x25: {  	[simem:s6], [sflag:s4] =	dma.local [hbm:s3], $0xF7A  }
0x26: {  	[smem:$0x3FA0] =	sst s1;
	(tag) =	ssettag s2;
	_ =	strace s9  }
0x27: {  	s1 =	sld [smem:$0x3FB0]  }
0x28: {  	s2 =	sld [smem:$0x3FB1]  }
0x29: {  	s4 =	sld [smem:$0x3FB3]  }
0x2a: {  	p0 =	seq.s32 s5, $0x0;
	s5 =	sld [smem:$0x3FB4]  }
0x2b: {  	s6 =	sld [smem:$0x3FB5]  }
0x2c: {  	s7 =	sld [smem:$0x3FB6]  }
0x2d: {  	s3 =	simm.s32 $0x108;
	s8 =	sld [smem:$0x3FB7]  }
0x2e: {  	s3 =	simm.s32 @!p0 $0x1082;
	s9 =	sld [smem:$0x3FB8]  }
0x2f: {  	lr =	sadd.s32 s0, s3;
	s0 =	sld [smem:$0x3FAF]  }
0x30: {  	s3 =	sld [smem:$0x3FB2]  }
0x31: {  	[smem:$0x3FBB] =	sst s10  }
0x32: {  	s10 =	sld [smem:$0x3FB9];
	_ =	sdelay $0x3  }
0x33: {  	p0 =	seq.s32 s10, $0x1;
	s10 =	sld [smem:$0x3FBB];
	_ =	sdelay $0x3  }
0x34: {  	[smem:$0x3FBB] =	sst s10  }
0x35: {  	s10 =	sld [smem:$0x3FBA];
	_ =	sdelay $0x3  }
0x36: {  	p1 =	seq.s32 s10, $0x1;
	s10 =	sld [smem:$0x3FBB];
	_ =	sdelay $0x3  }
0x37: {  	[smem:$0x3FBB] =	sst s10  }
0x38: {  	s10 =	sld [smem:$0x3FBC]  }
0x39: {  	_ = 	snop;
	(pc) =	sbr.ind lr, $3  }
0x3a: {  	_ = 	snop  }
0x3b: {  	_ = 	snop  }
0x3c: {  	p2 =	seq.s32 s10, $0x1;
	s10 =	sld [smem:$0x3FBB]  }
0x3d: {  	_ =	shalt  }
0x3e: {  	_ =	shalt  }
0x3f: {  	_ =	shalt  }
0x40: {  	_ =	shalt  }
0x41: {  	_ =	shalt  }
0x42: {  	_ =	shalt  }
0x43: {  	_ =	shalt  }
0x44: {  	_ =	shalt  }
0x45: {  	_ =	shalt  }
0x46: {  	_ =	shalt  }
0x47: {  	_ =	shalt  }
0x48: {  	_ =	shalt  }
0x49: {  	_ =	shalt  }
0x4a: {  	_ =	shalt  }
0x4b: {  	_ =	shalt  }
0x4c: {  	_ =	shalt  }
0x4d: {  	_ =	shalt  }
0x4e: {  	_ =	shalt  }
0x4f: {  	_ =	shalt  }
0x50: {  	_ =	shalt  }
0x51: {  	_ =	shalt  }
0x52: {  	_ =	shalt  }
0x53: {  	_ =	shalt  }
0x54: {  	_ =	shalt  }
0x55: {  	_ =	shalt  }
0x56: {  	_ =	shalt  }
0x57: {  	_ =	shalt  }
0x58: {  	_ =	shalt  }
0x59: {  	_ =	shalt  }
0x5a: {  	_ =	shalt  }
0x5b: {  	_ =	shalt  }
0x5c: {  	_ =	shalt  }
0x5d: {  	_ =	shalt  }
0x5e: {  	_ =	shalt  }
0x5f: {  	_ =	shalt  }
0x60: {  	_ =	shalt  }
0x61: {  	_ =	shalt  }
0x62: {  	_ =	shalt  }
0x63: {  	_ =	shalt  }
0x64: {  	_ =	shalt  }
0x65: {  	_ =	shalt  }
0x66: {  	_ =	shalt  }
0x67: {  	_ =	shalt  }
0x68: {  	_ =	shalt  }
0x69: {  	_ =	shalt  }
0x6a: {  	_ =	shalt  }
0x6b: {  	_ =	shalt  }
0x6c: {  	_ =	shalt  }
0x6d: {  	_ =	shalt  }
0x6e: {  	_ =	shalt  }
0x6f: {  	_ =	shalt  }
0x70: {  	_ =	shalt  }
0x71: {  	_ =	shalt  }
0x72: {  	_ =	shalt  }
0x73: {  	_ =	shalt  }
0x74: {  	_ =	shalt  }
0x75: {  	_ =	shalt  }
0x76: {  	_ =	shalt  }
0x77: {  	_ =	shalt  }
0x78: {  	_ =	shalt  }
0x79: {  	_ =	shalt  }
0x7a: {  	_ =	shalt  }
0x7b: {  	_ =	shalt  }
0x7c: {  	_ =	shalt  }
0x7d: {  	_ =	shalt  }
0x7e: {  	_ =	shalt  }
0x7f: {  	_ =	shalt  }
0x80: {  	_ =	shalt  }
0x81: {  	_ =	shalt  }
0x82: {  	_ =	shalt  }
0x83: {  	_ =	shalt  }
0x84: {  	_ =	shalt  }
0x85: {  	_ =	shalt  }
0x86: {  	_ =	shalt  }
0x87: {  	_ =	shalt  }
.Lfunc_end0:
.L_simem_size_0:
called_computation_lowered:
.L_overlay_start_0:
0x88: {  	s2 =	sld [smem:$0x3FD9]  }
0x89: {  	s3 =	sld [smem:$0x3FFE];
	_ =	sdelay $0x1  }
0x8a: {  	s1 =	srdreg.scid  }
0x8b: {  	s0 =	sand.u32 $0x1, s1  }
0x8c: {  	s17 =	sshll.u32 s0, $0xA;
	s2 =	sadd.s32 s3, s2  }
0x8d: {  	s2 =	sadd.s32 s2, s17  }
0x8e: {  	[smem:$0x3FC7] =	sst s2  }
0x8f: {  	_ = 	snop  }
0x90: {  	s2 =	sld [smem:$0x3FC9]  }
0x91: {  	s18 =	sld [smem:$0x3FD0];
	(tm) =	ssettm $0x1  }
0x92: {  	s4 =	sld [smem:$0x3FFB];
	_ =	sdelay $0x3  }
0x93: {  	_ =	strace s4  }
0x94: {  	s4 =	sld [smem:$0x3FFC];
	_ =	sdelay $0x3  }
0x95: {  	_ =	strace s4  }
0x96: {  	s4 =	sld [smem:$0x3FFD];
	_ =	sdelay $0x3  }
0x97: {  	_ =	strace s4  }
0x98: {  	_ =	strace $0x8FFFFFFF  }
0x99: {  	s19 =	sld [smem:$0x3FDB];
	_ =	sdelay $0x1  }
0x9a: {  	s5 =	simm.s32 $_scs_section_size  }
0x9b: {  	s6 =	simm.s32 $_size__tile_overlayer_lowered;
	s7 =	simm.s32 $_tile_overlayer_lowered  }
0x9c: {  	s22 =	simm.s32 $0x1BFF;
	s21 =	sshll.u32 s7, $0x1;
	s4 =	sadd.s32 s5, s19  }
0x9d: {  	s8 =	simm.s32 $0x0;
	s20 =	sshll.u32 s6, $0x1;
	s6 =	sadd.s32 s21, s4  }
0x9e: {  	[timem:s8], [sflag:s22] =	dma.local [hbm:s6], s20  }
0x9f: {  	_ =	swait.ge [sflag:s22], s20  }
0xa0: {  	s5 =	ssub.s32 $0x0, s20;
	[sflag:s22] =	ssyncset.done $0x0  }
0xa1: {  	[sflag:s22] =	ssyncadd.s32 s5;
	_ =	sdelay $0x1  }
0xa2: {  	s23 =	simm.s32 $0x1B8B  }
0xa3: {  	_ =	swait.ge [sflag:s23], $0x1  }
0xa4: {  	[sflag:s23] =	ssyncset.done $0x0  }
0xa5: {  	s25 =	simm.s32 $0x1B8E;
	s24 =	sld [smem:$0x3FFE];
	[sflag:s23] =	ssyncadd.s32 $0xFFFFFFFF  }
0xa6: {  	s26 =	simm.s32 $execute0_lowered;
	[smem:$0x3FD2] =	sst s25  }
0xa7: {  	s6 =	sshll.u32 s26, $0x1;
	_ =	strace $0x80000046;
	[dreg:$0x1] =	wrdreg $0xFFFFFFFF  }
0xa8: {  	s28 =	simm.s32 $_size_execute0_lowered;
	s4 =	sadd.s32 s4, s6;
	[dreg:$0x0] =	wrdreg $0x0  }
0xa9: {  	s6 =	sshll.u32 s28, $0x1;
	[dreg:$0x2] =	wrdreg s4  }
0xaa: {  	[dreg:$0x3] =	wrdreg s6  }
0xab: {  	[dreg:$0x4] =	wrdreg $0xC0  }
0xac: {  	_ =	task [dreg:s8], $0x5FFFF  }
0xad: {  	[dreg:$0x1] =	wrdreg $0xFFFFFFFF  }
0xae: {  	[dreg:$0x0] =	wrdreg $0x60  }
0xaf: {  	[dreg:$0x2] =	wrdreg s2  }
0xb0: {  	[dreg:$0x3] =	wrdreg s24  }
0xb1: {  	[dreg:$0x4] =	wrdreg s18  }
0xb2: {  	[dreg:$0x5] =	wrdreg $0x9  }
0xb3: {  	_ =	task.clear_ibuf [dreg:s8], $0x6FFFF;
	_ =	strace $0x90000046  }
0xb4: {  	s29 =	simm.s32 $0x9;
	_ =	strace $0x80000048  }
0xb5: {  	_ =	swait.ge [sflag:s29], $0x1  }
0xb6: {  	[sflag:s29] =	ssyncadd.s32 $0xFFFFFFFF  }
0xb7: {  	_ =	strace $0x90000048  }
0xb8: {  	_ =	sfence  }
0xb9: {  	s30 =	sld [smem:$0x0];
	_ =	sdelay $0x2  }
0xba: {  	s31 =	sshll.u32 s1, $0xD;
	s1 =	sshrl.u32 s1, $0x2  }
0xbb: {  	s3 =	sand.u32 $0x4000, s31;
	s1 =	sadd.s32 s1, s30  }
0xbc: {  	s0 =	sor.u32 s3, s0;
	s1 =	sshll.u32 s1, $0x11  }
0xbd: {  	s0 =	sor.u32 s1, s0  }
0xbe: {  	s0 =	sadd.s32 $0x8F2B, s0  }
0xbf: {  	[sflag:s0] =	ssyncadd.remote.s32 $0x1  }
0xc0: {  	_ =	sfence.sel $0xFFFF  }
0xc1: {  	[dreg:$0x0] =	wrdreg $0xFFFFFFFF;
	(pc) =	sbr.abs _section_cstart, $3  }
0xc2: {  	[dreg:$0x1] =	wrdreg $0xFFFFFFFF  }
0xc3: {  	_ =	task.clear_ibuf [dreg:s8], $0x2FFFF;
	_ =	strace $0x9FFFFFFF  }
0xc4: {  	(tm) =	ssettm $0x7FFFFFFF  }
0xc5: {  	_ =	shalt  }
tec
execute0_lowered:
.L_overlay_start_1:
0x0: {  	(tag) =	ssettag $0x1  }
0x1: {  	s2 =	rddreg [dreg:$0x0]  }
0x2: {  	s4 =	rddreg [dreg:$0x1]  }
0x3: {  	s1 =	srdreg.scid;
	s0 =	stileid.u32  }
0x4: {  	s15 =	rddreg [dreg:$0x2];
	s20 =	sand.u32 $0x1, s1;
	s5 =	sshll.u32 s0, $0x1  }
0x5: {  	s3 =	simm.s32 $0x0;
	s1 =	rddreg [dreg:$0x3];
	s13 =	sor.u32 s20, s5  }
0x6: {  	[smem:$0x7FF] =	sst s3;
	s5 =	sshll.u32 s13, $0x7  }
0x7: {  	_ =	strace $0x80000047;
	s4 =	sadd.s32 s4, s5;
	s5 =	simm.s32 $0x5  }
0x8: {  	[tilespmem:s3], [sflag:$0x5] =	stream.linear.gather [hbm4b:s4+s3], $0x280, $0x38;
	[tilespmem:$0x1F800] =	vst v63  }
0x9: {  	_ =	swait.ge [sflag:s5], $0x280  }
0xa: {  	[sflag:s5] =	ssyncset.done $0x0  }
0xb: {  	s6 =	simm.s32 $0x4;
	s7 =	simm.s32 $0x400;
	[sflag:s5] =	ssyncadd.s32 $0xFFFFFD80  }
0xc: {  	[tilespmem:s7], [sflag:$0x1] =	stream.indirect.gather [hbm4b:s2+s6], $0x3E80, s3, s6, $0xb8;
	[tilespmem:$0x1F800] =	vst v63  }
0xd: {  	s8 =	simm.s32 $0x80;
	s9 =	simm.s32 $0xFE00;
	s10 =	simm.s32 $0x1  }
0xe: {  	[tilespmem:s9], [sflag:$0x2] =	stream.indirect.gather [hbm4b:s2+s6], $0x3E80, s8, s6, $0xb8;
	[tilespmem:$0x1F800] =	vst v63  }
0xf: {  	s11 =	smul.u32 $0x9C40, s13;
	_ =	swait.ge [sflag:s10], $0xFA00  }
0x10: {  	[sflag:s10] =	ssyncset.done $0x0  }
0x11: {  	s12 =	sadd.s32 s15, s11;
	s11 =	simm.s32 $0x3;
	[sflag:s10] =	ssyncadd.s32 $0xFFFF0600  }
0x12: {  	[hbm4b:s12+s3] =	stream.linear.scatter [tilespmem:s7], [sflag:$0x3], $0xFA00, $0x38;
	[tilespmem:$0x1F800] =	vst v63  }
0x13: {  	_ =	swait.ge [sflag:s11], $0xFA00  }
0x14: {  	s14 =	simm.s32 $0x2;
	[sflag:s11] =	ssyncset.done $0x0  }
0x15: {  	s16 =	smul.u32 $0x4E200, s13;
	s13 =	simm.s32 $0x100;
	[sflag:s11] =	ssyncadd.s32 $0xFFFF0600  }
0x16: {  	[tilespmem:s7], [sflag:$0x1] =	stream.indirect.gather [hbm4b:s2+s6], $0x3E80, s13, s6, $0xb8;
	[tilespmem:$0x1F800] =	vst v63  }
0x17: {  	s16 =	sshrl.u32 s16, $0x3;
	_ =	swait.ge [sflag:s14], $0xFA00  }
0x18: {  	s21 =	sadd.s32 s15, s16;
	[sflag:s14] =	ssyncset.done $0x0  }
0x19: {  	s15 =	sadd.s32 $0x1F40, s21;
	[sflag:s14] =	ssyncadd.s32 $0xFFFF0600  }
0x1a: {  	[hbm4b:s15+s3] =	stream.linear.scatter [tilespmem:s9], [sflag:$0x4], $0xFA00, $0x38;
	[tilespmem:$0x1F800] =	vst v63  }
0x1b: {  	_ =	swait.ge [sflag:s6], $0xFA00  }
0x1c: {  	[sflag:s6] =	ssyncset.done $0x0  }
0x1d: {  	s16 =	simm.s32 $0x180;
	[sflag:s6] =	ssyncadd.s32 $0xFFFF0600  }
0x1e: {  	[tilespmem:s9], [sflag:$0x2] =	stream.indirect.gather [hbm4b:s2+s6], $0x3E80, s16, s6, $0xb8;
	[tilespmem:$0x1F800] =	vst v63  }
0x1f: {  	_ =	swait.ge [sflag:s10], $0xFA00  }
0x20: {  	[sflag:s10] =	ssyncset.done $0x0  }
0x21: {  	s17 =	sadd.s32 $0x3E80, s21;
	[sflag:s10] =	ssyncadd.s32 $0xFFFF0600  }
0x22: {  	[hbm4b:s17+s3] =	stream.linear.scatter [tilespmem:s7], [sflag:$0x3], $0xFA00, $0x38;
	[tilespmem:$0x1F800] =	vst v63  }
0x23: {  	_ =	swait.ge [sflag:s11], $0xFA00  }
0x24: {  	[sflag:s11] =	ssyncset.done $0x0  }
0x25: {  	s18 =	simm.s32 $0x200;
	[sflag:s11] =	ssyncadd.s32 $0xFFFF0600  }
0x26: {  	[tilespmem:s7], [sflag:$0x1] =	stream.indirect.gather [hbm4b:s2+s6], $0x3E80, s18, s6, $0xb8;
	[tilespmem:$0x1F800] =	vst v63  }
0x27: {  	_ =	swait.ge [sflag:s14], $0xFA00  }
0x28: {  	s22 =	ssub.s32 $0x2, s20;
	[sflag:s14] =	ssyncset.done $0x0  }
0x29: {  	s31 =	sshrl.u32 s22, $0x1;
	s19 =	sadd.s32 $0x5DC0, s21;
	[sflag:s14] =	ssyncadd.s32 $0xFFFF0600  }
0x2a: {  	[hbm4b:s19+s3] =	stream.linear.scatter [tilespmem:s9], [sflag:$0x4], $0xFA00, $0x38;
	[tilespmem:$0x1F800] =	vst v63  }
0x2b: {  	s20 =	sadd.s32 $0x7D00, s21;
	s21 =	ssub.s32 s22, s31;
	_ =	swait.ge [sflag:s10], $0xFA00  }
0x2c: {  	s21 =	smax.u32 s21, $0x1;
	[sflag:s10] =	ssyncset.done $0x0  }
0x2d: {  	p0 =	sne.s32 s21, $0x1;
	[sflag:s10] =	ssyncadd.s32 $0xFFFF0600  }
0x2e: {  	[hbm4b:s20+s3] =	stream.linear.scatter [tilespmem:s7], [sflag:$0x3], $0xFA00, $0x38;
	[tilespmem:$0x1F800] =	vst v63  }
.Ltmp0:
0x2f: {  	_ =	swait.ge [sflag:s6], $0xFA00;
	(pc) =	sbr.rel @!p0 .LBB2_2-.Ltmp0, $4  }
0x30: {  	[sflag:s6] =	ssyncset.done $0x0  }
0x31: {  	[sflag:s6] =	ssyncadd.s32 $0xFFFF0600  }
0x32: {  	_ =	swait.ge [sflag:s11], $0xFA00  }
0x33: {  	s21 =	sadd.s32 $0xFFFFFFFF, s21;
	[sflag:s11] =	ssyncset.done $0x0  }
.LBB2_1:
0x34: {  	p0 =	sne.s32 s21, $0x1;
	s21 =	sadd.s32 $0xFFFFFFFF, s21;
	[sflag:s11] =	ssyncadd.s32 $0xFFFF0600  }
0x35: {  	[tilespmem:s3], [sflag:$0x5] =	stream.linear.gather [hbm4b:s4+s3], $0x280, $0x38;
	[tilespmem:$0x1F800] =	vst v63  }
0x36: {  	_ =	swait.ge [sflag:s5], $0x280  }
0x37: {  	[sflag:s5] =	ssyncset.done $0x0  }
0x38: {  	[sflag:s5] =	ssyncadd.s32 $0xFFFFFD80  }
0x39: {  	[tilespmem:s7], [sflag:$0x1] =	stream.indirect.gather [hbm4b:s2+s6], $0x3E80, s3, s6, $0xb8;
	[tilespmem:$0x1F800] =	vst v63  }
0x3a: {  	_ = 	snop  }
0x3b: {  	[tilespmem:s9], [sflag:$0x2] =	stream.indirect.gather [hbm4b:s2+s6], $0x3E80, s8, s6, $0xb8;
	[tilespmem:$0x1F800] =	vst v63  }
0x3c: {  	_ =	swait.ge [sflag:s10], $0xFA00  }
0x3d: {  	[sflag:s10] =	ssyncset.done $0x0  }
0x3e: {  	[sflag:s10] =	ssyncadd.s32 $0xFFFF0600  }
0x3f: {  	[hbm4b:s12+s3] =	stream.linear.scatter [tilespmem:s7], [sflag:$0x3], $0xFA00, $0x38;
	[tilespmem:$0x1F800] =	vst v63  }
0x40: {  	_ =	swait.ge [sflag:s11], $0xFA00  }
0x41: {  	[sflag:s11] =	ssyncset.done $0x0  }
0x42: {  	[sflag:s11] =	ssyncadd.s32 $0xFFFF0600  }
0x43: {  	[tilespmem:s7], [sflag:$0x1] =	stream.indirect.gather [hbm4b:s2+s6], $0x3E80, s13, s6, $0xb8;
	[tilespmem:$0x1F800] =	vst v63  }
0x44: {  	_ =	swait.ge [sflag:s14], $0xFA00  }
0x45: {  	[sflag:s14] =	ssyncset.done $0x0  }
0x46: {  	[sflag:s14] =	ssyncadd.s32 $0xFFFF0600  }
0x47: {  	[hbm4b:s15+s3] =	stream.linear.scatter [tilespmem:s9], [sflag:$0x4], $0xFA00, $0x38;
	[tilespmem:$0x1F800] =	vst v63  }
0x48: {  	_ =	swait.ge [sflag:s6], $0xFA00  }
0x49: {  	[sflag:s6] =	ssyncset.done $0x0  }
0x4a: {  	[sflag:s6] =	ssyncadd.s32 $0xFFFF0600  }
0x4b: {  	[tilespmem:s9], [sflag:$0x2] =	stream.indirect.gather [hbm4b:s2+s6], $0x3E80, s16, s6, $0xb8;
	[tilespmem:$0x1F800] =	vst v63  }
0x4c: {  	_ =	swait.ge [sflag:s10], $0xFA00  }
0x4d: {  	[sflag:s10] =	ssyncset.done $0x0  }
0x4e: {  	[sflag:s10] =	ssyncadd.s32 $0xFFFF0600  }
0x4f: {  	[hbm4b:s17+s3] =	stream.linear.scatter [tilespmem:s7], [sflag:$0x3], $0xFA00, $0x38;
	[tilespmem:$0x1F800] =	vst v63  }
0x50: {  	_ =	swait.ge [sflag:s11], $0xFA00  }
0x51: {  	[sflag:s11] =	ssyncset.done $0x0  }
0x52: {  	[sflag:s11] =	ssyncadd.s32 $0xFFFF0600  }
0x53: {  	[tilespmem:s7], [sflag:$0x1] =	stream.indirect.gather [hbm4b:s2+s6], $0x3E80, s18, s6, $0xb8;
	[tilespmem:$0x1F800] =	vst v63  }
0x54: {  	_ =	swait.ge [sflag:s14], $0xFA00  }
0x55: {  	[sflag:s14] =	ssyncset.done $0x0  }
0x56: {  	[sflag:s14] =	ssyncadd.s32 $0xFFFF0600  }
0x57: {  	[hbm4b:s19+s3] =	stream.linear.scatter [tilespmem:s9], [sflag:$0x4], $0xFA00, $0x38;
	[tilespmem:$0x1F800] =	vst v63  }
0x58: {  	_ =	swait.ge [sflag:s10], $0xFA00  }
0x59: {  	[sflag:s10] =	ssyncset.done $0x0  }
0x5a: {  	[sflag:s10] =	ssyncadd.s32 $0xFFFF0600  }
0x5b: {  	[hbm4b:s20+s3] =	stream.linear.scatter [tilespmem:s7], [sflag:$0x3], $0xFA00, $0x38;
	[tilespmem:$0x1F800] =	vst v63  }
.Ltmp1:
0x5c: {  	_ =	swait.ge [sflag:s6], $0xFA00;
	(pc) =	sbr.rel @p0 .LBB2_1-.Ltmp1, $4  }
0x5d: {  	[sflag:s6] =	ssyncset.done $0x0  }
0x5e: {  	[sflag:s6] =	ssyncadd.s32 $0xFFFF0600  }
0x5f: {  	_ =	swait.ge [sflag:s11], $0xFA00  }
0x60: {  	[sflag:s11] =	ssyncset.done $0x0  }
.LBB2_2:
0x61: {  	[sflag:s11] =	ssyncadd.s32 $0xFFFF0600  }
0x62: {  	_ =	sfence.sel $0x180000  }
0x63: {  	[bflag:$0x0] =	sbarrier.arrive $0xFFFF  }
0x64: {  	p0 =	sne.s32 s0, $0x0;
	_ =	strace $0x90000047  }
0x65: {  	s0 =	sadd.s32 @!p0 $0x100000, s1;
	[bflag:$0x2] =	sbarrier.arrive $0xFFFF  }
0x66: {  	[sflag:s0] =	ssyncadd.tile.s32 @!p0 $0x1;
	_ =	shalt  }
.Lfunc_end2:
_tile_overlayer_lowered:
.L_overlay_start_2:
0x67: {  	(tag) =	ssettag $0x2  }
0x68: {  	s0 =	rddreg [dreg:$0x0];
	s2 =	stileid.u32  }
0x69: {  	s1 =	rddreg [dreg:$0x1];
	p0 =	sne.s32 s2, $0x0  }
0x6a: {  	s3 =	rddreg [dreg:$0x2];
	[bflag:$0x3] =	sbarrier.arrive $0xFFFF;
	s2 =	simm.s32 @!p0 $0x1C05  }
0x6b: {  	[timem:s3], [sflag:s2] =	dma.local @!p0 [hbm:s0], s1  }
0x6c: {  	s0 =	simm.s32 @!p0 $0x5  }
0x6d: {  	_ =	swait.ge @!p0 [sflag:s0], s1  }
0x6e: {  	s1 =	ssub.s32 @!p0 $0x0, s1;
	[sflag:s0] =	ssyncset.done @!p0 $0x0  }
0x6f: {  	[sflag:s0] =	ssyncadd.s32 @!p0 s1  }
0x70: {  	[bflag:$0x3] =	sbarrier.arrive $0xFFFF  }
0x71: {  	_ =	shalt  }

</sc_bundles>
